<compile_context>
chip_gen: v7x
topology: tpu7x:2x2x1
jax: 0.10.2.dev20260603
libtpu: 0.0.44.dev20260713+nightly
codegen_flags: <defaults>
</compile_context>

<pallas_src>
import functools

import jax
import jax.numpy as jnp
from jax.experimental import pallas as pl
from jax.experimental.pallas import tpu as pltpu

N_E = 8192
E_DIM = 32
BETA = 0.25

TN = 256
TK = 1024
KB = N_E // TK


def _vq_body(z_ref, w_ref, idx_ref, zq_ref, loss_ref, perp_ref,
             cnt_ref, lacc_ref, *, n_tokens, nb):
    i = pl.program_id(0)

    @pl.when(i == 0)
    def _init():
        cnt_ref[...] = jnp.zeros_like(cnt_ref)
        lacc_ref[0, 0] = 0.0

    zb = z_ref[...]
    idx = idx_ref[...]

    zq = jnp.zeros((TN, E_DIM), dtype=jnp.float32)
    for kc in range(KB):
        iota = jax.lax.broadcasted_iota(jnp.int32, (TN, TK), 1) + kc * TK
        oh = (iota == idx).astype(jnp.float32)
        wc = w_ref[pl.ds(kc * TK, TK), :]
        zq = zq + jax.lax.dot_general(
            oh, wc, (((1,), (0,)), ((), ())),
            preferred_element_type=jnp.float32)
        cnt_ref[:, pl.ds(kc * TK, TK)] += jnp.sum(oh, axis=0, keepdims=True)

    zq_ref[...] = zb + (zq - zb)

    diff = zq - zb
    lacc_ref[0, 0] += jnp.sum(diff * diff)

    @pl.when(i == nb - 1)
    def _finalize():
        m1 = lacc_ref[0, 0] / jnp.float32(n_tokens * E_DIM)
        loss_ref[...] = jnp.full((1, 1), BETA * m1 + m1, dtype=jnp.float32)
        e_mean = cnt_ref[...] / jnp.float32(n_tokens)
        perp_ref[...] = jnp.exp(
            -jnp.sum(e_mean * jnp.log(e_mean + 1e-10), keepdims=True))


@jax.jit
def kernel(z, weight):
    zp = jnp.transpose(z, (0, 2, 3, 1))
    z_flat = zp.reshape(-1, E_DIM)
    n = z_flat.shape[0]
    nb = n // TN

    d = (jnp.sum(z_flat ** 2, axis=1, keepdims=True)
         + jnp.sum(weight ** 2, axis=1)
         - 2.0 * jnp.matmul(z_flat, weight.T))
    mei = jnp.argmin(d, axis=1)
    enc = (jax.lax.broadcasted_iota(jnp.int32, (n, N_E), 1) == mei[:, None]
           ).astype(jnp.float32)

    body = functools.partial(_vq_body, n_tokens=n, nb=nb)
    zq_st, loss, perp = pl.pallas_call(
        body,
        grid=(nb,),
        in_specs=[
            pl.BlockSpec((TN, E_DIM), lambda i: (i, 0)),
            pl.BlockSpec((N_E, E_DIM), lambda i: (0, 0)),
            pl.BlockSpec((TN, 1), lambda i: (i, 0)),
        ],
        out_specs=[
            pl.BlockSpec((TN, E_DIM), lambda i: (i, 0)),
            pl.BlockSpec((1, 1), lambda i: (0, 0)),
            pl.BlockSpec((1, 1), lambda i: (0, 0)),
        ],
        out_shape=[
            jax.ShapeDtypeStruct((n, E_DIM), jnp.float32),
            jax.ShapeDtypeStruct((1, 1), jnp.float32),
            jax.ShapeDtypeStruct((1, 1), jnp.float32),
        ],
        scratch_shapes=[
            pltpu.VMEM((1, N_E), jnp.float32),
            pltpu.SMEM((1, 1), jnp.float32),
        ],
    )(z_flat, weight, mei[:, None].astype(jnp.int32))

    z_q_out = jnp.transpose(zq_st.reshape(zp.shape), (0, 3, 1, 2))
    return (loss[0, 0], z_q_out, perp[0, 0], enc, mei[:, None])

# --- scband reference (transcript-rebuilt; emitter-appended) ---
"""Pipeline reference for scband-vector-quantizer-11957188952565 (READ-ONLY COPY).

The authoritative reference and input builder live on the scoring server;
editing this copy changes nothing except your own understanding.
"""

import jax, jax.numpy as jnp
import numpy as np

N_E = 8192
E_DIM = 32
BETA = 0.25

def setup_inputs(seed: int = 0) -> dict:
    key = jax.random.key(seed)
    k1, k2 = jax.random.split(key)
    z = jax.random.normal(k1, (8, 32, 32, 32), dtype=jnp.float32)
    weight = jax.random.uniform(k2, (N_E, E_DIM), minval=-1.0 / N_E, maxval=1.0 / N_E, dtype=jnp.float32)
    return {"z": z, "weight": weight}

def reference(z, weight):
    # z: (B, C, H, W) with C == E_DIM
    zp = jnp.transpose(z, (0, 2, 3, 1))  # (B, H, W, C)
    z_flat = zp.reshape(-1, E_DIM)  # (N, C)
    d = (jnp.sum(z_flat ** 2, axis=1, keepdims=True)
         + jnp.sum(weight ** 2, axis=1)
         - 2.0 * jnp.matmul(z_flat, weight.T))  # (N, K)
    min_encoding_indices = jnp.argmin(d, axis=1)  # (N,)
    n = z_flat.shape[0]
    min_encodings = jnp.zeros((n, N_E), dtype=jnp.float32).at[jnp.arange(n), min_encoding_indices].set(1.0)
    z_q = jnp.matmul(min_encodings, weight).reshape(zp.shape)  # (B, H, W, C)
    loss = (BETA * jnp.mean((jax.lax.stop_gradient(z_q) - zp) ** 2)
            + jnp.mean((z_q - jax.lax.stop_gradient(zp)) ** 2))
    z_q_st = zp + jax.lax.stop_gradient(z_q - zp)  # straight-through
    e_mean = jnp.mean(min_encodings, axis=0)
    perplexity = jnp.exp(-jnp.sum(e_mean * jnp.log(e_mean + 1e-10)))
    z_q_out = jnp.transpose(z_q_st, (0, 3, 1, 2))  # (B, C, H, W)
    return (loss, z_q_out, perplexity, min_encodings, min_encoding_indices[:, None])

if __name__ == "__main__":
    import jax
    _d = setup_inputs()
    print(jax.jit(kernel)(*tuple(_d.values())))

</pallas_src>

<mosaic_0001>
module attributes {stable_mosaic.version = 14 : i64} {
  func.func @_vq_body(%arg0: i32, %arg1: memref<256x32xf32, #tpu.memory_space<vmem>>, %arg2: memref<8192x32xf32, #tpu.memory_space<vmem>>, %arg3: memref<256x1xi32, #tpu.memory_space<vmem>>, %arg4: memref<256x32xf32, #tpu.memory_space<vmem>>, %arg5: memref<1x1xf32, #tpu.memory_space<vmem>>, %arg6: memref<1x1xf32, #tpu.memory_space<vmem>>, %arg7: memref<1x8192xf32, #tpu.memory_space<vmem>>, %arg8: memref<1x1xf32, #tpu.memory_space<smem>>) attributes {dimension_semantics = [#tpu.dimension_semantics<arbitrary>], iteration_bounds = array<i64: 32>, scalar_prefetch = 0 : i64, scratch_operands = 2 : i64, tpu.core_type = #tpu.core_type<tc>, window_params = [{transform_indices = @transform_0, window_bounds = array<i64: 256, 32>}, {pipeline_mode = #tpu.pipeline_mode<synchronous>, transform_indices = @transform_1, window_bounds = array<i64: 8192, 32>}, {transform_indices = @transform_2, window_bounds = array<i64: 256, 1>}, {transform_indices = @transform_3, window_bounds = array<i64: 256, 32>}, {pipeline_mode = #tpu.pipeline_mode<synchronous>, transform_indices = @transform_4, window_bounds = array<i64: 1, 1>}, {pipeline_mode = #tpu.pipeline_mode<synchronous>, transform_indices = @transform_5, window_bounds = array<i64: 1, 1>}]} {
    %eq3A = arith.constant 0 : i32
    %eq3A_0 = arith.cmpi eq, %arg0, %eq3A : i32
    %convert_element_type3A = arith.extui %eq3A_0 : i1 to i32
    %cond3A = arith.constant 0 : i32
    %cond3A_1 = arith.cmpi ne, %convert_element_type3A, %cond3A : i32
    scf.if %cond3A_1 {
      %broadcast_in_dim3A_217 = arith.constant 0.000000e+00 : f32
      %broadcast_in_dim3A_218 = vector.broadcast %broadcast_in_dim3A_217 : f32 to vector<1x8192xf32>
      %swap3A_219 = arith.constant 0 : index
      %swap3A_220 = arith.constant 0 : index
      %swap3A_221 = vector.load %arg7[%swap3A_219, %swap3A_220] : memref<1x8192xf32, #tpu.memory_space<vmem>>, vector<1x8192xf32>
      tpu.vector_store %arg7[%swap3A_219, %swap3A_220], %broadcast_in_dim3A_218 {strides = array<i32>} : memref<1x8192xf32, #tpu.memory_space<vmem>>, vector<1x8192xf32>,
      %swap3A_222 = arith.constant 0.000000e+00 : f32
      %swap3A_223 = arith.constant 0 : index
      %swap3A_224 = arith.constant 0 : index
      %swap3A_225 = memref.load %arg8[%swap3A_223, %swap3A_224] : memref<1x1xf32, #tpu.memory_space<smem>>
      memref.store %swap3A_222, %arg8[%swap3A_223, %swap3A_224] : memref<1x1xf32, #tpu.memory_space<smem>>
    } else {
    }
    %get3A = arith.constant 0 : index
    %get3A_2 = arith.constant 0 : index
    %get3A_3 = vector.load %arg1[%get3A, %get3A_2] : memref<256x32xf32, #tpu.memory_space<vmem>>, vector<256x32xf32>
    %get3A_4 = arith.constant 0 : index
    %get3A_5 = arith.constant 0 : index
    %get3A_6 = vector.load %arg3[%get3A_4, %get3A_5] : memref<256x1xi32, #tpu.memory_space<vmem>>, vector<256x1xi32>
    %broadcast_in_dim3A = arith.constant 0.000000e+00 : f32
    %broadcast_in_dim3A_7 = vector.broadcast %broadcast_in_dim3A : f32 to vector<256x32xf32>
    %iota3A = tpu.iota {dimensions = array<i32: 1>} : vector<256x1024xi32>
    %add3A = arith.constant 0 : i32
    %add3A_8 = vector.broadcast %add3A : i32 to vector<256x1024xi32>
    %add3A_9 = arith.addi %iota3A, %add3A_8 : vector<256x1024xi32>
    %eq3A_10 = vector.broadcast %get3A_6 : vector<256x1xi32> to vector<256x1024xi32>
    %eq3A_11 = arith.cmpi eq, %add3A_9, %eq3A_10 : vector<256x1024xi32>
    %convert_element_type3A_12 = arith.extui %eq3A_11 : vector<256x1024xi1> to vector<256x1024xi32>
    %convert_element_type3A_13 = arith.sitofp %convert_element_type3A_12 : vector<256x1024xi32> to vector<256x1024xf32>
    %get3A_14 = arith.constant 0 : index
    %get3A_15 = arith.constant 0 : index
    %get3A_16 = vector.load %arg2[%get3A_14, %get3A_15] : memref<8192x32xf32, #tpu.memory_space<vmem>>, vector<1024x32xf32>
    %dot_general3A = arith.constant dense<0.000000e+00> : vector<256x32xf32>
    %dot_general3A_17 = tpu.matmul %convert_element_type3A_13, %get3A_16, %dot_general3A {dimension_numbers = #tpu.dot_dimension_numbers<[1], [0], [0], [1], [0, 0, 1, 1], [], []>, transpose_lhs_hint = false} : vector<256x1024xf32>, vector<1024x32xf32>, vector<256x32xf32> -> vector<256x32xf32>
    %add3A_18 = arith.addf %broadcast_in_dim3A_7, %dot_general3A_17 : vector<256x32xf32>
    %get3A_19 = arith.constant 0 : index
    %get3A_20 = arith.constant 0 : index
    %get3A_21 = vector.load %arg7[%get3A_19, %get3A_20] : memref<1x8192xf32, #tpu.memory_space<vmem>>, vector<1x1024xf32>
    %reduce_sum3A = arith.constant dense<0.000000e+00> : vector<1024xf32>
    %reduce_sum3A_22 = vector.multi_reduction <add>, %convert_element_type3A_13, %reduce_sum3A [0] : vector<256x1024xf32> to vector<1024xf32>
    %broadcast_in_dim3A_23 = vector.shape_cast %reduce_sum3A_22 : vector<1024xf32> to vector<1x1024xf32>
    %add3A_24 = arith.addf %get3A_21, %broadcast_in_dim3A_23 : vector<1x1024xf32>
    %swap3A = arith.constant 0 : index
    %swap3A_25 = arith.constant 0 : index
    %swap3A_26 = vector.load %arg7[%swap3A, %swap3A_25] : memref<1x8192xf32, #tpu.memory_space<vmem>>, vector<1x1024xf32>
    tpu.vector_store %arg7[%swap3A, %swap3A_25], %add3A_24 {strides = array<i32>} : memref<1x8192xf32, #tpu.memory_space<vmem>>, vector<1x1024xf32>,
    %iota3A_27 = tpu.iota {dimensions = array<i32: 1>} : vector<256x1024xi32>
    %add3A_28 = arith.constant 1024 : i32
    %add3A_29 = vector.broadcast %add3A_28 : i32 to vector<256x1024xi32>
    %add3A_30 = arith.addi %iota3A_27, %add3A_29 : vector<256x1024xi32>
    %eq3A_31 = vector.broadcast %get3A_6 : vector<256x1xi32> to vector<256x1024xi32>
    %eq3A_32 = arith.cmpi eq, %add3A_30, %eq3A_31 : vector<256x1024xi32>
    %convert_element_type3A_33 = arith.extui %eq3A_32 : vector<256x1024xi1> to vector<256x1024xi32>
    %convert_element_type3A_34 = arith.sitofp %convert_element_type3A_33 : vector<256x1024xi32> to vector<256x1024xf32>
    %get3A_35 = arith.constant 1024 : index
    %get3A_36 = arith.constant 0 : index
    %get3A_37 = vector.load %arg2[%get3A_35, %get3A_36] : memref<8192x32xf32, #tpu.memory_space<vmem>>, vector<1024x32xf32>
    %dot_general3A_38 = arith.constant dense<0.000000e+00> : vector<256x32xf32>
    %dot_general3A_39 = tpu.matmul %convert_element_type3A_34, %get3A_37, %dot_general3A_38 {dimension_numbers = #tpu.dot_dimension_numbers<[1], [0], [0], [1], [0, 0, 1, 1], [], []>, transpose_lhs_hint = false} : vector<256x1024xf32>, vector<1024x32xf32>, vector<256x32xf32> -> vector<256x32xf32>
    %add3A_40 = arith.addf %add3A_18, %dot_general3A_39 : vector<256x32xf32>
    %get3A_41 = arith.constant 0 : index
    %get3A_42 = arith.constant 1024 : index
    %get3A_43 = vector.load %arg7[%get3A_41, %get3A_42] : memref<1x8192xf32, #tpu.memory_space<vmem>>, vector<1x1024xf32>
    %reduce_sum3A_44 = arith.constant dense<0.000000e+00> : vector<1024xf32>
    %reduce_sum3A_45 = vector.multi_reduction <add>, %convert_element_type3A_34, %reduce_sum3A_44 [0] : vector<256x1024xf32> to vector<1024xf32>
    %broadcast_in_dim3A_46 = vector.shape_cast %reduce_sum3A_45 : vector<1024xf32> to vector<1x1024xf32>
    %add3A_47 = arith.addf %get3A_43, %broadcast_in_dim3A_46 : vector<1x1024xf32>
    %swap3A_48 = arith.constant 0 : index
    %swap3A_49 = arith.constant 1024 : index
    %swap3A_50 = vector.load %arg7[%swap3A_48, %swap3A_49] : memref<1x8192xf32, #tpu.memory_space<vmem>>, vector<1x1024xf32>
    tpu.vector_store %arg7[%swap3A_48, %swap3A_49], %add3A_47 {strides = array<i32>} : memref<1x8192xf32, #tpu.memory_space<vmem>>, vector<1x1024xf32>,
    %iota3A_51 = tpu.iota {dimensions = array<i32: 1>} : vector<256x1024xi32>
    %add3A_52 = arith.constant 2048 : i32
    %add3A_53 = vector.broadcast %add3A_52 : i32 to vector<256x1024xi32>
    %add3A_54 = arith.addi %iota3A_51, %add3A_53 : vector<256x1024xi32>
    %eq3A_55 = vector.broadcast %get3A_6 : vector<256x1xi32> to vector<256x1024xi32>
    %eq3A_56 = arith.cmpi eq, %add3A_54, %eq3A_55 : vector<256x1024xi32>
    %convert_element_type3A_57 = arith.extui %eq3A_56 : vector<256x1024xi1> to vector<256x1024xi32>
    %convert_element_type3A_58 = arith.sitofp %convert_element_type3A_57 : vector<256x1024xi32> to vector<256x1024xf32>
    %get3A_59 = arith.constant 2048 : index
    %get3A_60 = arith.constant 0 : index
    %get3A_61 = vector.load %arg2[%get3A_59, %get3A_60] : memref<8192x32xf32, #tpu.memory_space<vmem>>, vector<1024x32xf32>
    %dot_general3A_62 = arith.constant dense<0.000000e+00> : vector<256x32xf32>
    %dot_general3A_63 = tpu.matmul %convert_element_type3A_58, %get3A_61, %dot_general3A_62 {dimension_numbers = #tpu.dot_dimension_numbers<[1], [0], [0], [1], [0, 0, 1, 1], [], []>, transpose_lhs_hint = false} : vector<256x1024xf32>, vector<1024x32xf32>, vector<256x32xf32> -> vector<256x32xf32>
    %add3A_64 = arith.addf %add3A_40, %dot_general3A_63 : vector<256x32xf32>
    %get3A_65 = arith.constant 0 : index
    %get3A_66 = arith.constant 2048 : index
    %get3A_67 = vector.load %arg7[%get3A_65, %get3A_66] : memref<1x8192xf32, #tpu.memory_space<vmem>>, vector<1x1024xf32>
    %reduce_sum3A_68 = arith.constant dense<0.000000e+00> : vector<1024xf32>
    %reduce_sum3A_69 = vector.multi_reduction <add>, %convert_element_type3A_58, %reduce_sum3A_68 [0] : vector<256x1024xf32> to vector<1024xf32>
    %broadcast_in_dim3A_70 = vector.shape_cast %reduce_sum3A_69 : vector<1024xf32> to vector<1x1024xf32>
    %add3A_71 = arith.addf %get3A_67, %broadcast_in_dim3A_70 : vector<1x1024xf32>
    %swap3A_72 = arith.constant 0 : index
    %swap3A_73 = arith.constant 2048 : index
    %swap3A_74 = vector.load %arg7[%swap3A_72, %swap3A_73] : memref<1x8192xf32, #tpu.memory_space<vmem>>, vector<1x1024xf32>
    tpu.vector_store %arg7[%swap3A_72, %swap3A_73], %add3A_71 {strides = array<i32>} : memref<1x8192xf32, #tpu.memory_space<vmem>>, vector<1x1024xf32>,
    %iota3A_75 = tpu.iota {dimensions = array<i32: 1>} : vector<256x1024xi32>
    %add3A_76 = arith.constant 3072 : i32
    %add3A_77 = vector.broadcast %add3A_76 : i32 to vector<256x1024xi32>
    %add3A_78 = arith.addi %iota3A_75, %add3A_77 : vector<256x1024xi32>
    %eq3A_79 = vector.broadcast %get3A_6 : vector<256x1xi32> to vector<256x1024xi32>
    %eq3A_80 = arith.cmpi eq, %add3A_78, %eq3A_79 : vector<256x1024xi32>
    %convert_element_type3A_81 = arith.extui %eq3A_80 : vector<256x1024xi1> to vector<256x1024xi32>
    %convert_element_type3A_82 = arith.sitofp %convert_element_type3A_81 : vector<256x1024xi32> to vector<256x1024xf32>
    %get3A_83 = arith.constant 3072 : index
    %get3A_84 = arith.constant 0 : index
    %get3A_85 = vector.load %arg2[%get3A_83, %get3A_84] : memref<8192x32xf32, #tpu.memory_space<vmem>>, vector<1024x32xf32>
    %dot_general3A_86 = arith.constant dense<0.000000e+00> : vector<256x32xf32>
    %dot_general3A_87 = tpu.matmul %convert_element_type3A_82, %get3A_85, %dot_general3A_86 {dimension_numbers = #tpu.dot_dimension_numbers<[1], [0], [0], [1], [0, 0, 1, 1], [], []>, transpose_lhs_hint = false} : vector<256x1024xf32>, vector<1024x32xf32>, vector<256x32xf32> -> vector<256x32xf32>
    %add3A_88 = arith.addf %add3A_64, %dot_general3A_87 : vector<256x32xf32>
    %get3A_89 = arith.constant 0 : index
    %get3A_90 = arith.constant 3072 : index
    %get3A_91 = vector.load %arg7[%get3A_89, %get3A_90] : memref<1x8192xf32, #tpu.memory_space<vmem>>, vector<1x1024xf32>
    %reduce_sum3A_92 = arith.constant dense<0.000000e+00> : vector<1024xf32>
    %reduce_sum3A_93 = vector.multi_reduction <add>, %convert_element_type3A_82, %reduce_sum3A_92 [0] : vector<256x1024xf32> to vector<1024xf32>
    %broadcast_in_dim3A_94 = vector.shape_cast %reduce_sum3A_93 : vector<1024xf32> to vector<1x1024xf32>
    %add3A_95 = arith.addf %get3A_91, %broadcast_in_dim3A_94 : vector<1x1024xf32>
    %swap3A_96 = arith.constant 0 : index
    %swap3A_97 = arith.constant 3072 : index
    %swap3A_98 = vector.load %arg7[%swap3A_96, %swap3A_97] : memref<1x8192xf32, #tpu.memory_space<vmem>>, vector<1x1024xf32>
    tpu.vector_store %arg7[%swap3A_96, %swap3A_97], %add3A_95 {strides = array<i32>} : memref<1x8192xf32, #tpu.memory_space<vmem>>, vector<1x1024xf32>,
    %iota3A_99 = tpu.iota {dimensions = array<i32: 1>} : vector<256x1024xi32>
    %add3A_100 = arith.constant 4096 : i32
    %add3A_101 = vector.broadcast %add3A_100 : i32 to vector<256x1024xi32>
    %add3A_102 = arith.addi %iota3A_99, %add3A_101 : vector<256x1024xi32>
    %eq3A_103 = vector.broadcast %get3A_6 : vector<256x1xi32> to vector<256x1024xi32>
    %eq3A_104 = arith.cmpi eq, %add3A_102, %eq3A_103 : vector<256x1024xi32>
    %convert_element_type3A_105 = arith.extui %eq3A_104 : vector<256x1024xi1> to vector<256x1024xi32>
    %convert_element_type3A_106 = arith.sitofp %convert_element_type3A_105 : vector<256x1024xi32> to vector<256x1024xf32>
    %get3A_107 = arith.constant 4096 : index
    %get3A_108 = arith.constant 0 : index
    %get3A_109 = vector.load %arg2[%get3A_107, %get3A_108] : memref<8192x32xf32, #tpu.memory_space<vmem>>, vector<1024x32xf32>
    %dot_general3A_110 = arith.constant dense<0.000000e+00> : vector<256x32xf32>
    %dot_general3A_111 = tpu.matmul %convert_element_type3A_106, %get3A_109, %dot_general3A_110 {dimension_numbers = #tpu.dot_dimension_numbers<[1], [0], [0], [1], [0, 0, 1, 1], [], []>, transpose_lhs_hint = false} : vector<256x1024xf32>, vector<1024x32xf32>, vector<256x32xf32> -> vector<256x32xf32>
    %add3A_112 = arith.addf %add3A_88, %dot_general3A_111 : vector<256x32xf32>
    %get3A_113 = arith.constant 0 : index
    %get3A_114 = arith.constant 4096 : index
    %get3A_115 = vector.load %arg7[%get3A_113, %get3A_114] : memref<1x8192xf32, #tpu.memory_space<vmem>>, vector<1x1024xf32>
    %reduce_sum3A_116 = arith.constant dense<0.000000e+00> : vector<1024xf32>
    %reduce_sum3A_117 = vector.multi_reduction <add>, %convert_element_type3A_106, %reduce_sum3A_116 [0] : vector<256x1024xf32> to vector<1024xf32>
    %broadcast_in_dim3A_118 = vector.shape_cast %reduce_sum3A_117 : vector<1024xf32> to vector<1x1024xf32>
    %add3A_119 = arith.addf %get3A_115, %broadcast_in_dim3A_118 : vector<1x1024xf32>
    %swap3A_120 = arith.constant 0 : index
    %swap3A_121 = arith.constant 4096 : index
    %swap3A_122 = vector.load %arg7[%swap3A_120, %swap3A_121] : memref<1x8192xf32, #tpu.memory_space<vmem>>, vector<1x1024xf32>
    tpu.vector_store %arg7[%swap3A_120, %swap3A_121], %add3A_119 {strides = array<i32>} : memref<1x8192xf32, #tpu.memory_space<vmem>>, vector<1x1024xf32>,
    %iota3A_123 = tpu.iota {dimensions = array<i32: 1>} : vector<256x1024xi32>
    %add3A_124 = arith.constant 5120 : i32
    %add3A_125 = vector.broadcast %add3A_124 : i32 to vector<256x1024xi32>
    %add3A_126 = arith.addi %iota3A_123, %add3A_125 : vector<256x1024xi32>
    %eq3A_127 = vector.broadcast %get3A_6 : vector<256x1xi32> to vector<256x1024xi32>
    %eq3A_128 = arith.cmpi eq, %add3A_126, %eq3A_127 : vector<256x1024xi32>
    %convert_element_type3A_129 = arith.extui %eq3A_128 : vector<256x1024xi1> to vector<256x1024xi32>
    %convert_element_type3A_130 = arith.sitofp %convert_element_type3A_129 : vector<256x1024xi32> to vector<256x1024xf32>
    %get3A_131 = arith.constant 5120 : index
    %get3A_132 = arith.constant 0 : index
    %get3A_133 = vector.load %arg2[%get3A_131, %get3A_132] : memref<8192x32xf32, #tpu.memory_space<vmem>>, vector<1024x32xf32>
    %dot_general3A_134 = arith.constant dense<0.000000e+00> : vector<256x32xf32>
    %dot_general3A_135 = tpu.matmul %convert_element_type3A_130, %get3A_133, %dot_general3A_134 {dimension_numbers = #tpu.dot_dimension_numbers<[1], [0], [0], [1], [0, 0, 1, 1], [], []>, transpose_lhs_hint = false} : vector<256x1024xf32>, vector<1024x32xf32>, vector<256x32xf32> -> vector<256x32xf32>
    %add3A_136 = arith.addf %add3A_112, %dot_general3A_135 : vector<256x32xf32>
    %get3A_137 = arith.constant 0 : index
    %get3A_138 = arith.constant 5120 : index
    %get3A_139 = vector.load %arg7[%get3A_137, %get3A_138] : memref<1x8192xf32, #tpu.memory_space<vmem>>, vector<1x1024xf32>
    %reduce_sum3A_140 = arith.constant dense<0.000000e+00> : vector<1024xf32>
    %reduce_sum3A_141 = vector.multi_reduction <add>, %convert_element_type3A_130, %reduce_sum3A_140 [0] : vector<256x1024xf32> to vector<1024xf32>
    %broadcast_in_dim3A_142 = vector.shape_cast %reduce_sum3A_141 : vector<1024xf32> to vector<1x1024xf32>
    %add3A_143 = arith.addf %get3A_139, %broadcast_in_dim3A_142 : vector<1x1024xf32>
    %swap3A_144 = arith.constant 0 : index
    %swap3A_145 = arith.constant 5120 : index
    %swap3A_146 = vector.load %arg7[%swap3A_144, %swap3A_145] : memref<1x8192xf32, #tpu.memory_space<vmem>>, vector<1x1024xf32>
    tpu.vector_store %arg7[%swap3A_144, %swap3A_145], %add3A_143 {strides = array<i32>} : memref<1x8192xf32, #tpu.memory_space<vmem>>, vector<1x1024xf32>,
    %iota3A_147 = tpu.iota {dimensions = array<i32: 1>} : vector<256x1024xi32>
    %add3A_148 = arith.constant 6144 : i32
    %add3A_149 = vector.broadcast %add3A_148 : i32 to vector<256x1024xi32>
    %add3A_150 = arith.addi %iota3A_147, %add3A_149 : vector<256x1024xi32>
    %eq3A_151 = vector.broadcast %get3A_6 : vector<256x1xi32> to vector<256x1024xi32>
    %eq3A_152 = arith.cmpi eq, %add3A_150, %eq3A_151 : vector<256x1024xi32>
    %convert_element_type3A_153 = arith.extui %eq3A_152 : vector<256x1024xi1> to vector<256x1024xi32>
    %convert_element_type3A_154 = arith.sitofp %convert_element_type3A_153 : vector<256x1024xi32> to vector<256x1024xf32>
    %get3A_155 = arith.constant 6144 : index
    %get3A_156 = arith.constant 0 : index
    %get3A_157 = vector.load %arg2[%get3A_155, %get3A_156] : memref<8192x32xf32, #tpu.memory_space<vmem>>, vector<1024x32xf32>
    %dot_general3A_158 = arith.constant dense<0.000000e+00> : vector<256x32xf32>
    %dot_general3A_159 = tpu.matmul %convert_element_type3A_154, %get3A_157, %dot_general3A_158 {dimension_numbers = #tpu.dot_dimension_numbers<[1], [0], [0], [1], [0, 0, 1, 1], [], []>, transpose_lhs_hint = false} : vector<256x1024xf32>, vector<1024x32xf32>, vector<256x32xf32> -> vector<256x32xf32>
    %add3A_160 = arith.addf %add3A_136, %dot_general3A_159 : vector<256x32xf32>
    %get3A_161 = arith.constant 0 : index
    %get3A_162 = arith.constant 6144 : index
    %get3A_163 = vector.load %arg7[%get3A_161, %get3A_162] : memref<1x8192xf32, #tpu.memory_space<vmem>>, vector<1x1024xf32>
    %reduce_sum3A_164 = arith.constant dense<0.000000e+00> : vector<1024xf32>
    %reduce_sum3A_165 = vector.multi_reduction <add>, %convert_element_type3A_154, %reduce_sum3A_164 [0] : vector<256x1024xf32> to vector<1024xf32>
    %broadcast_in_dim3A_166 = vector.shape_cast %reduce_sum3A_165 : vector<1024xf32> to vector<1x1024xf32>
    %add3A_167 = arith.addf %get3A_163, %broadcast_in_dim3A_166 : vector<1x1024xf32>
    %swap3A_168 = arith.constant 0 : index
    %swap3A_169 = arith.constant 6144 : index
    %swap3A_170 = vector.load %arg7[%swap3A_168, %swap3A_169] : memref<1x8192xf32, #tpu.memory_space<vmem>>, vector<1x1024xf32>
    tpu.vector_store %arg7[%swap3A_168, %swap3A_169], %add3A_167 {strides = array<i32>} : memref<1x8192xf32, #tpu.memory_space<vmem>>, vector<1x1024xf32>,
    %iota3A_171 = tpu.iota {dimensions = array<i32: 1>} : vector<256x1024xi32>
    %add3A_172 = arith.constant 7168 : i32
    %add3A_173 = vector.broadcast %add3A_172 : i32 to vector<256x1024xi32>
    %add3A_174 = arith.addi %iota3A_171, %add3A_173 : vector<256x1024xi32>
    %eq3A_175 = vector.broadcast %get3A_6 : vector<256x1xi32> to vector<256x1024xi32>
    %eq3A_176 = arith.cmpi eq, %add3A_174, %eq3A_175 : vector<256x1024xi32>
    %convert_element_type3A_177 = arith.extui %eq3A_176 : vector<256x1024xi1> to vector<256x1024xi32>
    %convert_element_type3A_178 = arith.sitofp %convert_element_type3A_177 : vector<256x1024xi32> to vector<256x1024xf32>
    %get3A_179 = arith.constant 7168 : index
    %get3A_180 = arith.constant 0 : index
    %get3A_181 = vector.load %arg2[%get3A_179, %get3A_180] : memref<8192x32xf32, #tpu.memory_space<vmem>>, vector<1024x32xf32>
    %dot_general3A_182 = arith.constant dense<0.000000e+00> : vector<256x32xf32>
    %dot_general3A_183 = tpu.matmul %convert_element_type3A_178, %get3A_181, %dot_general3A_182 {dimension_numbers = #tpu.dot_dimension_numbers<[1], [0], [0], [1], [0, 0, 1, 1], [], []>, transpose_lhs_hint = false} : vector<256x1024xf32>, vector<1024x32xf32>, vector<256x32xf32> -> vector<256x32xf32>
    %add3A_184 = arith.addf %add3A_160, %dot_general3A_183 : vector<256x32xf32>
    %get3A_185 = arith.constant 0 : index
    %get3A_186 = arith.constant 7168 : index
    %get3A_187 = vector.load %arg7[%get3A_185, %get3A_186] : memref<1x8192xf32, #tpu.memory_space<vmem>>, vector<1x1024xf32>
    %reduce_sum3A_188 = arith.constant dense<0.000000e+00> : vector<1024xf32>
    %reduce_sum3A_189 = vector.multi_reduction <add>, %convert_element_type3A_178, %reduce_sum3A_188 [0] : vector<256x1024xf32> to vector<1024xf32>
    %broadcast_in_dim3A_190 = vector.shape_cast %reduce_sum3A_189 : vector<1024xf32> to vector<1x1024xf32>
    %add3A_191 = arith.addf %get3A_187, %broadcast_in_dim3A_190 : vector<1x1024xf32>
    %swap3A_192 = arith.constant 0 : index
    %swap3A_193 = arith.constant 7168 : index
    %swap3A_194 = vector.load %arg7[%swap3A_192, %swap3A_193] : memref<1x8192xf32, #tpu.memory_space<vmem>>, vector<1x1024xf32>
    tpu.vector_store %arg7[%swap3A_192, %swap3A_193], %add3A_191 {strides = array<i32>} : memref<1x8192xf32, #tpu.memory_space<vmem>>, vector<1x1024xf32>,
    %sub3A = arith.subf %add3A_184, %get3A_3 : vector<256x32xf32>
    %add3A_195 = arith.addf %get3A_3, %sub3A : vector<256x32xf32>
    %swap3A_196 = arith.constant 0 : index
    %swap3A_197 = arith.constant 0 : index
    %swap3A_198 = vector.load %arg4[%swap3A_196, %swap3A_197] : memref<256x32xf32, #tpu.memory_space<vmem>>, vector<256x32xf32>
    tpu.vector_store %arg4[%swap3A_196, %swap3A_197], %add3A_195 {strides = array<i32>} : memref<256x32xf32, #tpu.memory_space<vmem>>, vector<256x32xf32>,
    %sub3A_199 = arith.subf %add3A_184, %get3A_3 : vector<256x32xf32>
    %get3A_200 = arith.constant 0 : index
    %get3A_201 = arith.constant 0 : index
    %get3A_202 = memref.load %arg8[%get3A_200, %get3A_201] : memref<1x1xf32, #tpu.memory_space<smem>>
    %mul3A = arith.mulf %sub3A_199, %sub3A_199 : vector<256x32xf32>
    %reduce_sum3A_203 = vector.shape_cast %mul3A : vector<256x32xf32> to vector<1x256x32xf32>
    %reduce_sum3A_204 = arith.constant dense<0.000000e+00> : vector<1xf32>
    %reduce_sum3A_205 = vector.multi_reduction <add>, %reduce_sum3A_203, %reduce_sum3A_204 [1, 2] : vector<1x256x32xf32> to vector<1xf32>
    %reduce_sum3A_206 = vector.shape_cast %reduce_sum3A_205 : vector<1xf32> to vector<1x1x1xf32>
    %reduce_sum3A_207 = vector.extract %reduce_sum3A_206[0, 0, 0] : f32 from vector<1x1x1xf32>
    %add3A_208 = arith.addf %get3A_202, %reduce_sum3A_207 : f32
    %swap3A_209 = arith.constant 0 : index
    %swap3A_210 = arith.constant 0 : index
    %swap3A_211 = memref.load %arg8[%swap3A_209, %swap3A_210] : memref<1x1xf32, #tpu.memory_space<smem>>
    memref.store %add3A_208, %arg8[%swap3A_209, %swap3A_210] : memref<1x1xf32, #tpu.memory_space<smem>>
    %eq3A_212 = arith.constant 31 : i32
    %eq3A_213 = arith.cmpi eq, %arg0, %eq3A_212 : i32
    %convert_element_type3A_214 = arith.extui %eq3A_213 : i1 to i32
    %cond3A_215 = arith.constant 0 : i32
    %cond3A_216 = arith.cmpi ne, %convert_element_type3A_214, %cond3A_215 : i32
    scf.if %cond3A_216 {
      %get3A_217 = arith.constant 0 : index
      %get3A_218 = arith.constant 0 : index
      %get3A_219 = memref.load %arg8[%get3A_217, %get3A_218] : memref<1x1xf32, #tpu.memory_space<smem>>
      %div3A = arith.constant 2.621440e+05 : f32
      %div3A_220 = arith.divf %get3A_219, %div3A : f32
      %mul3A_221 = arith.constant 2.500000e-01 : f32
      %mul3A_222 = arith.mulf %mul3A_221, %div3A_220 : f32
      %add3A_223 = arith.addf %mul3A_222, %div3A_220 : f32
      %broadcast_in_dim3A_224 = vector.broadcast %add3A_223 : f32 to vector<1x1xf32>
      %swap3A_225 = arith.constant 0 : index
      %swap3A_226 = arith.constant 0 : index
      %swap3A_227 = vector.load %arg5[%swap3A_225, %swap3A_226] : memref<1x1xf32, #tpu.memory_space<vmem>>, vector<1x1xf32>
      tpu.vector_store %arg5[%swap3A_225, %swap3A_226], %broadcast_in_dim3A_224 {strides = array<i32>} : memref<1x1xf32, #tpu.memory_space<vmem>>, vector<1x1xf32>,
      %get3A_228 = arith.constant 0 : index
      %get3A_229 = arith.constant 0 : index
      %get3A_230 = vector.load %arg7[%get3A_228, %get3A_229] : memref<1x8192xf32, #tpu.memory_space<vmem>>, vector<1x8192xf32>
      %div3A_231 = arith.constant 8.192000e+03 : f32
      %div3A_232 = vector.broadcast %div3A_231 : f32 to vector<1x8192xf32>
      %div3A_233 = arith.divf %get3A_230, %div3A_232 : vector<1x8192xf32>
      %add3A_234 = arith.constant 1.000000e-10 : f32
      %add3A_235 = vector.broadcast %add3A_234 : f32 to vector<1x8192xf32>
      %add3A_236 = arith.addf %div3A_233, %add3A_235 : vector<1x8192xf32>
      %log3A = math.log %add3A_236 : vector<1x8192xf32>
      %mul3A_237 = arith.mulf %div3A_233, %log3A : vector<1x8192xf32>
      %reduce_sum3A_238 = vector.shape_cast %mul3A_237 : vector<1x8192xf32> to vector<1x1x8192xf32>
      %reduce_sum3A_239 = arith.constant dense<0.000000e+00> : vector<1xf32>
      %reduce_sum3A_240 = vector.multi_reduction <add>, %reduce_sum3A_238, %reduce_sum3A_239 [1, 2] : vector<1x1x8192xf32> to vector<1xf32>
      %reduce_sum3A_241 = vector.shape_cast %reduce_sum3A_240 : vector<1xf32> to vector<1x1x1xf32>
      %reduce_sum3A_242 = vector.extract %reduce_sum3A_241[0, 0, 0] : f32 from vector<1x1x1xf32>
      %broadcast_in_dim3A_243 = vector.broadcast %reduce_sum3A_242 : f32 to vector<1x1xf32>
      %neg3A = arith.constant 0.000000e+00 : f32
      %neg3A_244 = vector.broadcast %neg3A : f32 to vector<1x1xf32>
      %neg3A_245 = arith.subf %neg3A_244, %broadcast_in_dim3A_243 : vector<1x1xf32>
      %exp3A = math.exp %neg3A_245 : vector<1x1xf32>
      %swap3A_246 = arith.constant 0 : index
      %swap3A_247 = arith.constant 0 : index
      %swap3A_248 = vector.load %arg6[%swap3A_246, %swap3A_247] : memref<1x1xf32, #tpu.memory_space<vmem>>, vector<1x1xf32>
      tpu.vector_store %arg6[%swap3A_246, %swap3A_247], %exp3A {strides = array<i32>} : memref<1x1xf32, #tpu.memory_space<vmem>>, vector<1x1xf32>,
    } else {
    }
    return
  }
  func.func @transform_0(%arg0: i32) -> (i32, i32) {
    %c0_i32 = arith.constant 0 : i32
    %c0_i32_0 = arith.constant 0 : i32
    return %arg0, %c0_i32 : i32, i32
  }
  func.func @transform_1(%arg0: i32) -> (i32, i32) {
    %c0_i32 = arith.constant 0 : i32
    %c0_i32_0 = arith.constant 0 : i32
    %c0_i32_1 = arith.constant 0 : i32
    return %c0_i32, %c0_i32_0 : i32, i32
  }
  func.func @transform_2(%arg0: i32) -> (i32, i32) {
    %c0_i32 = arith.constant 0 : i32
    %c0_i32_0 = arith.constant 0 : i32
    return %arg0, %c0_i32 : i32, i32
  }
  func.func @transform_3(%arg0: i32) -> (i32, i32) {
    %c0_i32 = arith.constant 0 : i32
    %c0_i32_0 = arith.constant 0 : i32
    return %arg0, %c0_i32 : i32, i32
  }
  func.func @transform_4(%arg0: i32) -> (i32, i32) {
    %c0_i32 = arith.constant 0 : i32
    %c0_i32_0 = arith.constant 0 : i32
    %c0_i32_1 = arith.constant 0 : i32
    return %c0_i32, %c0_i32_0 : i32, i32
  }
  func.func @transform_5(%arg0: i32) -> (i32, i32) {
    %c0_i32 = arith.constant 0 : i32
    %c0_i32_0 = arith.constant 0 : i32
    %c0_i32_1 = arith.constant 0 : i32
    return %c0_i32, %c0_i32_0 : i32, i32
  }
}

</mosaic_0001>

<sc_bundles>
// kernel: sparse-core-data-format-call.cloned.1.call-start
scs
called_computation_lowered:
.L_overlay_start_0:
0x0: {  	s2 =	sld [smem:$0x3FD9]  }
0x1: {  	s3 =	sld [smem:$0x3FFE];
	_ =	sdelay $0x1  }
0x2: {  	s1 =	srdreg.scid  }
0x3: {  	s0 =	sand.u32 $0x1, s1  }
0x4: {  	s15 =	sshll.u32 s0, $0xA;
	s2 =	sadd.s32 s3, s2  }
0x5: {  	s2 =	sadd.s32 s2, s15  }
0x6: {  	[smem:$0x3FC6] =	sst s2  }
0x7: {  	_ = 	snop  }
0x8: {  	s2 =	sld [smem:$0x3FD0];
	_ =	sdelay $0x2  }
0x9: {  	s16 =	simm.s32 $0xA;
	s4 =	simm.s32 $0x10  }
0xa: {  	[smem:s4], [sflag:s16] =	dma.local [hbm:s2], $0x1  }
0xb: {  	_ =	swait.eq [sflag:s16], $0x1  }
0xc: {  	[sflag:s16] =	ssyncset.done $0x0  }
0xd: {  	[sflag:s16] =	ssyncadd.s32 $0xFFFFFFFF  }
0xe: {  	s17 =	sld [smem:$0x13];
	(tm) =	ssettm $0x1  }
0xf: {  	s18 =	sld [smem:$0x3FFB];
	_ =	sdelay $0x3  }
0x10: {  	_ =	strace s18  }
0x11: {  	s3 =	sld [smem:$0x3FFC];
	_ =	sdelay $0x3  }
0x12: {  	_ =	strace s3  }
0x13: {  	s3 =	sld [smem:$0x3FFD];
	_ =	sdelay $0x3  }
0x14: {  	_ =	strace s3  }
0x15: {  	_ =	strace $0x8FFFFFFF  }
0x16: {  	s19 =	sld [smem:$0x3FDB];
	_ =	sdelay $0x1  }
0x17: {  	s20 =	simm.s32 $_scs_section_size  }
0x18: {  	s5 =	simm.s32 $_size__tile_overlayer_lowered;
	s6 =	simm.s32 $_tile_overlayer_lowered  }
0x19: {  	s23 =	simm.s32 $0x1BFF;
	s22 =	sshll.u32 s6, $0x1;
	s3 =	sadd.s32 s20, s19  }
0x1a: {  	s7 =	simm.s32 $0x0;
	s21 =	sshll.u32 s5, $0x1;
	s5 =	sadd.s32 s22, s3  }
0x1b: {  	[timem:s7], [sflag:s23] =	dma.local [hbm:s5], s21  }
0x1c: {  	_ =	swait.ge [sflag:s23], s21  }
0x1d: {  	s4 =	ssub.s32 $0x0, s21;
	[sflag:s23] =	ssyncset.done $0x0  }
0x1e: {  	[sflag:s23] =	ssyncadd.s32 s4;
	_ =	sdelay $0x1  }
0x1f: {  	s24 =	simm.s32 $0x1B8B  }
0x20: {  	_ =	swait.ge [sflag:s24], $0x1  }
0x21: {  	[sflag:s24] =	ssyncset.done $0x0  }
0x22: {  	s26 =	simm.s32 $0x1B8E;
	s25 =	sld [smem:$0x3FFE];
	[sflag:s24] =	ssyncadd.s32 $0xFFFFFFFF  }
0x23: {  	s27 =	simm.s32 $execute0_lowered;
	[smem:$0x3FD2] =	sst s26  }
0x24: {  	s5 =	sshll.u32 s27, $0x1;
	_ =	strace $0x80000046;
	[dreg:$0x1] =	wrdreg $0xFFFFFFFF  }
0x25: {  	s28 =	simm.s32 $_size_execute0_lowered;
	s3 =	sadd.s32 s3, s5;
	[dreg:$0x0] =	wrdreg $0x0  }
0x26: {  	s5 =	sshll.u32 s28, $0x1;
	[dreg:$0x2] =	wrdreg s3  }
0x27: {  	[dreg:$0x3] =	wrdreg s5  }
0x28: {  	[dreg:$0x4] =	wrdreg $0xC0  }
0x29: {  	_ =	task [dreg:s7], $0x5FFFF  }
0x2a: {  	[dreg:$0x1] =	wrdreg $0xFFFFFFFF  }
0x2b: {  	[dreg:$0x0] =	wrdreg $0x60  }
0x2c: {  	[dreg:$0x2] =	wrdreg s25  }
0x2d: {  	[dreg:$0x3] =	wrdreg s17  }
0x2e: {  	[dreg:$0x4] =	wrdreg $0x9  }
0x2f: {  	_ =	task.clear_ibuf [dreg:s7], $0x5FFFF;
	_ =	strace $0x90000046  }
0x30: {  	s29 =	simm.s32 $0x9;
	_ =	strace $0x80000048  }
0x31: {  	_ =	swait.ge [sflag:s29], $0x1  }
0x32: {  	[sflag:s29] =	ssyncadd.s32 $0xFFFFFFFF  }
0x33: {  	_ =	strace $0x90000048  }
0x34: {  	_ =	sfence  }
0x35: {  	s30 =	sld [smem:$0x0];
	_ =	sdelay $0x2  }
0x36: {  	s31 =	sshll.u32 s1, $0xD;
	s1 =	sshrl.u32 s1, $0x2  }
0x37: {  	s3 =	sand.u32 $0x4000, s31;
	s1 =	sadd.s32 s1, s30  }
0x38: {  	s0 =	sor.u32 s3, s0;
	s1 =	sshll.u32 s1, $0x11  }
0x39: {  	s0 =	sor.u32 s1, s0  }
0x3a: {  	s0 =	sadd.s32 $0x8F2B, s0  }
0x3b: {  	[sflag:s0] =	ssyncadd.remote.s32 $0x1  }
0x3c: {  	_ =	sfence.sel $0xFFFF  }
0x3d: {  	[dreg:$0x0] =	wrdreg $0xFFFFFFFF;
	(pc) =	sbr.abs _section_cstart, $3  }
0x3e: {  	[dreg:$0x1] =	wrdreg $0xFFFFFFFF  }
0x3f: {  	_ =	task.clear_ibuf [dreg:s7], $0x2FFFF;
	_ =	strace $0x9FFFFFFF  }
0x40: {  	(tm) =	ssettm $0x7FFFFFFF  }
0x41: {  	_ =	shalt  }
tec
execute0_lowered:
.L_overlay_start_1:
0x0: {  	(tag) =	ssettag $0x1  }
0x1: {  	s0 =	srdreg.scid  }
0x2: {  	s1 =	sshll.u32 s0, $0x4  }
0x3: {  	s3 =	rddreg [dreg:$0x0];
	s0 =	stileid.u32;
	s1 =	sand.u32 $0x10, s1  }
0x4: {  	s4 =	rddreg [dreg:$0x1];
	s1 =	sor.u32 s0, s1  }
0x5: {  	s6 =	simm.s32 $0x1;
	s31 =	simm.s32 $0x2;
	s2 =	sshll.u32 s1, $0x7  }
0x6: {  	s13 =	simm.s32 $0x0;
	s8 =	simm.s32 $0x10000;
	s5 =	ssub.s32 $0x2000, s2  }
0x7: {  	s12 =	simm.s32 $0x0;
	s9 =	simm.s32 $0x0;
	s30 =	sand.u32 $0xF80, s5  }
.Ltmp0:
0x8: {  	s11 =	simm.s32 $0x0;
	p0 =	sne.s32 s30, $0x0;
	(pc) =	sbr.rel .LBB1_1-.Ltmp0, $4  }
0x9: {  	s1 =	rddreg [dreg:$0x2];
	s7 =	sshrl.u32 s5, $0xC;
	s6 =	simm.s32 @!p0 $0x0  }
0xa: {  	_ =	strace $0x80000047;
	s5 =	simm.s32 $0x1;
	s6 =	sadd.s32 s6, s7  }
0xb: {  	s10 =	smov.u32 s2;
	[sflag:s5] =	ssyncpa.u1 $0x0;
	s6 =	sshll.u32 s6, $0x6  }
0xc: {  	[sflag:s31] =	ssyncpa.u1 $0x0;
	p0 =	por $0x0, $0x0;
	s7 =	sor.u32 $0x1, s6  }
.LBB1_4:
0xd: {  	v5 =	vld [tilespmem:s16+$0xFFFFFFD0]  }
0xe: {  	[tilespmem:s17+$0x2040 ss:$0x81] =	vst.msk $0xffff, v1;
	v58 =	vld [tilespmem:s16+$0xFFFFFFE0]  }
0xf: {  	[tilespmem:s17+$0x2850 ss:$0x81] =	vst.msk $0xffff, v2;
	v59 =	vld [tilespmem:s16+$0xFFFFFFF0]  }
0x10: {  	s18 =	sshra.s32 s18, $0x2;
	[tilespmem:s17+$0x3060 ss:$0x81] =	vst.msk $0xffff, v3;
	v60 =	vld [tilespmem:s16+$0x0]  }
0x11: {  	[tilespmem:s17+$0x0 ss:$0x81] =	vst.msk $0xffff, v0;
	v61 =	vld [tilespmem:s16+$0x10];
	s15 =	sadd.s32 s18, s15  }
0x12: {  	s26 =	sshll.u32 s13, $0xD;
	v62 =	vld [tilespmem:s16+$0x20];
	[tilespmem:s15+$0x3870 ss:$0x81] =	vst.msk $0xffff, v4  }
0x13: {  	s27 =	sand.u32 $0x78, s12;
	s19 =	sshll.u32 s12, $0x3;
	v63 =	vld [tilespmem:s16+$0xFFFFFFC0];
	s29 =	sshll.u32 s13, $0x7;
	[tilespmem:s15+$0x810 ss:$0x81] =	vst.msk $0xffff, v5  }
0x14: {  	s17 =	sand.u32 $0x3FF0000, s26;
	s28 =	sand.u32 $0x3FFFC00, s19;
	s19 =	sand.u32 $0x1C00, s19;
	[tilespmem:s15+$0x1020 ss:$0x81] =	vst.msk $0xffff, v58  }
0x15: {  	s13 =	sand.u32 $0x380, s29;
	s16 =	sadd.s32 s28, s17;
	s30 =	sor.u32 s27, s19;
	[tilespmem:s15+$0x1830 ss:$0x81] =	vst.msk $0xffff, v59  }
0x16: {  	s16 =	sand.u32 $0x3FFE000, s16;
	s13 =	sor.u32 s13, s30;
	[tilespmem:s15+$0x2040 ss:$0x81] =	vst.msk $0xffff, v60  }
0x17: {  	s31 =	sand.u32 $0x7, s12;
	s13 =	sor.u32 s16, s13;
	[tilespmem:s15+$0x2850 ss:$0x81] =	vst.msk $0xffff, v61  }
0x18: {  	s12 =	sshll.u32 s31, $0x12;
	[tilespmem:s15+$0x3060 ss:$0x81] =	vst.msk $0xffff, v62;
	s13 =	sshrl.u32 s13, $0x3  }
0x19: {  	s12 =	sor.u32 $0x400, s12;
	[tilespmem:s15+$0x0 ss:$0x81] =	vst.msk $0xffff, v63;
	s13 =	sadd.s32 s4, s13  }
0x1a: {  	[hbm4b:s13+s12] =	stream.strided.scatter [tilespmem:s14], [sflag:$0x2], $0x4000, s8, s12, $0x20;
	[tilespmem:$0x10100] =	vst v63  }
.LBB1_5:
0x1b: {  	s14 =	sadd.s32 $0x80, s9  }
0x1c: {  	s12 =	sadd.s32 $0x1000, s10;
	s16 =	smov.u32 s10;
	p2 =	sgt.s32 s14, $0x1FFF  }
0x1d: {  	s16 =	smov.u32 @p2 s12  }
0x1e: {  	s14 =	simm.s32 @p2 $0x0;
	p2 =	sgt.s32 s16, $0x1FFF  }
0x1f: {  	s16 =	smov.u32 @p2 s2;
	p2 =	sne.s32 s11, s7  }
.Ltmp1:
0x20: {  	p1 =	slt.u32 s11, $0x2;
	(pc) =	sbr.rel @!p2 .LBB1_6-.Ltmp1, $4  }
0x21: {  	s15 =	simm.s32 @!p1 $0x2  }
0x22: {  	s13 =	smov.u32 s9;
	p0 =	por !p0, !p0;
	_ =	swait.ge @!p1 [sflag:s15], $0x4000  }
0x23: {  	s12 =	smov.u32 s10;
	[sflag:s15] =	ssyncset.done @!p1 $0x0;
	s9 =	smov.u32 s14  }
0x24: {  	s11 =	sadd.s32 $0x1, s11;
	[sflag:s15] =	ssyncadd.s32 @!p1 $0xFFFFC000;
	s10 =	smov.u32 s16  }
.LBB1_1:
0x25: {  	p1 =	sge.u32 s11, s6;
	s31 =	sadd.s32 $0xFFFFFFFF, s11  }
0x26: {  	s14 =	sand.u32 @!p1 $0x78, s9;
	s15 =	sshll.u32 @!p1 s10, $0xD;
	s16 =	sshll.u32 @!p1 s10, $0x7  }
0x27: {  	s17 =	sshll.u32 @!p1 s9, $0x3;
	s15 =	sand.u32 @!p1 $0x3FF0000, s15;
	s16 =	sand.u32 @!p1 $0x380, s16  }
0x28: {  	s15 =	sadd.s32 @!p1 s15, s17;
	s17 =	sand.u32 @!p1 $0x1C00, s17;
	s14 =	sor.u32 @!p1 s16, s14  }
0x29: {  	s16 =	sxor.u32 @!p1 $0xFFFFFFFF, s11;
	s15 =	sand.u32 @!p1 $0x3FFE000, s15;
	s14 =	sor.u32 @!p1 s17, s14  }
0x2a: {  	s16 =	sshll.u32 @!p1 s16, $0xE;
	s14 =	sor.u32 @!p1 s15, s14;
	s15 =	sand.u32 @!p1 $0x7, s9  }
0x2b: {  	s17 =	simm.s32 @!p1 $0x10000;
	s14 =	sshrl.u32 @!p1 s14, $0x3;
	s15 =	sshll.u32 @!p1 s15, $0x12  }
0x2c: {  	s16 =	sand.u32 @!p1 $0x4000, s16;
	s14 =	sadd.s32 @!p1 s3, s14;
	s15 =	sor.u32 @!p1 $0x400, s15  }
0x2d: {  	[tilespmem:s16], [sflag:$0x1] =	stream.strided.gather @!p1 [hbm4b:s14+s15], $0x4000, s17, s15, $0x38;
	[tilespmem:$0x10100] =	vst v63  }
0x2e: {  	p1 =	sge.u32 s31, s6  }
.Ltmp2:
0x2f: {  	_ = 	snop;
	(pc) =	sbr.rel @p1 .LBB1_5-.Ltmp2, $1  }
0x30: {  	_ =	sdelay $0x3  }
0x31: {  	s14 =	simm.s32 $0x1  }
0x32: {  	_ =	swait.ge [sflag:s5], $0x4000;
	s14 =	simm.s32 @!p0 $0x0  }
0x33: {  	[sflag:s5] =	ssyncset.done $0x0;
	s15 =	sshll.u32 s14, $0xE  }
0x34: {  	[sflag:s5] =	ssyncadd.s32 $0xFFFFC000;
	s16 =	sor.u32 $0x40, s15  }
0x35: {  	s14 =	smul.u32 $0x10200, s14;
	v0 =	vld [tilespmem:s16+$0x30]  }
0x36: {  	v3 =	vld [tilespmem:s16+$0xFFFFFFD0]  }
0x37: {  	s14 =	sshrl.u32 s14, $0x2;
	v4 =	vld [tilespmem:s16+$0xFFFFFFE0]  }
0x38: {  	v5 =	vld [tilespmem:s16+$0xFFFFFFF0];
	s15 =	sor.u32 $0x8000, s14  }
0x39: {  	s31 =	sand.u32 $0x1, s11;
	v1 =	vld [tilespmem:s16+$0x0];
	s17 =	sadd.s32 $0x0, s15  }
0x3a: {  	v2 =	vld [tilespmem:s16+$0x10];
	s14 =	smul.u32 $0x10200, s31;
	[tilespmem:s17+$0x3870 ss:$0x81] =	vst.msk $0xffff, v0  }
0x3b: {  	[tilespmem:s17+$0x810 ss:$0x81] =	vst.msk $0xffff, v3;
	v3 =	vld [tilespmem:s16+$0x20]  }
0x3c: {  	s14 =	sshrl.u32 s14, $0x2;
	v0 =	vld [tilespmem:s16+$0xFFFFFFC0];
	[tilespmem:s17+$0x1020 ss:$0x81] =	vst.msk $0xffff, v4;
	s16 =	sadd.s32 $0x80, s16  }
0x3d: {  	s18 =	simm.s32 $0x4;
	s19 =	simm.s32 $0x8;
	s14 =	sor.u32 $0x8000, s14;
	[tilespmem:s17+$0x1830 ss:$0x81] =	vst.msk $0xffff, v5;
	v4 =	vld [tilespmem:s16+$0x30]  }
.LBB1_3:
0x3e: {  	p1 =	sne.s32 s19, $0x1FC;
	v5 =	vld [tilespmem:s16+$0xFFFFFFD0];
	[tilespmem:s17+$0x2040 ss:$0x81] =	vst.msk $0xffff, v1  }
0x3f: {  	v6 =	vld [tilespmem:s16+$0xFFFFFFE0];
	[tilespmem:s17+$0x2850 ss:$0x81] =	vst.msk $0xffff, v2  }
0x40: {  	s20 =	sshra.s32 s18, $0x2;
	s18 =	smov.u32 s19;
	v7 =	vld [tilespmem:s16+$0xFFFFFFF0];
	[tilespmem:s17+$0x3060 ss:$0x81] =	vst.msk $0xffff, v3  }
.Ltmp3:
0x41: {  	v1 =	vld [tilespmem:s16+$0x0];
	[tilespmem:s17+$0x0 ss:$0x81] =	vst.msk $0xffff, v0;
	s17 =	sadd.s32 s20, s15;
	(pc) =	sbr.rel @p1 .LBB1_3-.Ltmp3, $4  }
0x42: {  	v2 =	vld [tilespmem:s16+$0x10];
	[tilespmem:s17+$0x3870 ss:$0x81] =	vst.msk $0xffff, v4  }
0x43: {  	[tilespmem:s17+$0x810 ss:$0x81] =	vst.msk $0xffff, v5;
	v3 =	vld [tilespmem:s16+$0x20]  }
0x44: {  	v0 =	vld [tilespmem:s16+$0xFFFFFFC0];
	[tilespmem:s17+$0x1020 ss:$0x81] =	vst.msk $0xffff, v6;
	s16 =	sadd.s32 $0x80, s16  }
0x45: {  	s19 =	sadd.s32 $0x4, s19;
	v4 =	vld [tilespmem:s16+$0x30];
	[tilespmem:s17+$0x1830 ss:$0x81] =	vst.msk $0xffff, v7  }
.Ltmp4:
0x46: {  	_ = 	snop;
	(pc) =	sbr.rel .LBB1_4-.Ltmp4, $1  }
0x47: {  	_ =	sdelay $0x3  }
.LBB1_6:
0x48: {  	_ =	sfence.sel $0x180000  }
0x49: {  	s2 =	simm.s32 $0x1;
	[bflag:$0x0] =	sbarrier.arrive $0xFFFF  }
0x4a: {  	s31 =	simm.s32 $0x2;
	[sflag:s2] =	ssyncpa.u1 $0x1  }
0x4b: {  	[sflag:s31] =	ssyncpa.u1 $0x1  }
0x4c: {  	p0 =	sne.s32 s0, $0x0;
	_ =	strace $0x90000047  }
0x4d: {  	s0 =	sadd.s32 @!p0 $0x100000, s1;
	[bflag:$0x2] =	sbarrier.arrive $0xFFFF  }
0x4e: {  	[sflag:s0] =	ssyncadd.tile.s32 @!p0 $0x1;
	_ =	shalt  }
.Lfunc_end1:
_tile_overlayer_lowered:
.L_overlay_start_2:
0x4f: {  	(tag) =	ssettag $0x2  }
0x50: {  	s0 =	rddreg [dreg:$0x0];
	s2 =	stileid.u32  }
0x51: {  	s1 =	rddreg [dreg:$0x1];
	p0 =	sne.s32 s2, $0x0  }
0x52: {  	s3 =	rddreg [dreg:$0x2];
	[bflag:$0x3] =	sbarrier.arrive $0xFFFF;
	s2 =	simm.s32 @!p0 $0x1C01  }
0x53: {  	[timem:s3], [sflag:s2] =	dma.local @!p0 [hbm:s0], s1  }
0x54: {  	s0 =	simm.s32 @!p0 $0x1  }
0x55: {  	_ =	swait.ge @!p0 [sflag:s0], s1  }
0x56: {  	s1 =	ssub.s32 @!p0 $0x0, s1;
	[sflag:s0] =	ssyncset.done @!p0 $0x0  }
0x57: {  	[sflag:s0] =	ssyncadd.s32 @!p0 s1  }
0x58: {  	[bflag:$0x3] =	sbarrier.arrive $0xFFFF  }
0x59: {  	_ =	shalt  }

</sc_bundles>
